<compile_context>
chip_gen: v7x
topology: tpu7x:2x2x1
jax: 0.10.2.dev20260603
libtpu: 0.0.44.dev20260713+nightly
codegen_flags: <defaults>
</compile_context>

<pallas_src>
import functools

import jax
import jax.numpy as jnp
from jax import lax
from jax.experimental import pallas as pl
from jax.experimental.pallas import tpu as pltpu
from jax.experimental.pallas import tpu_sc as plsc

_B, _N, _D = 4, 8192, 768
_NW = 32
_ROWS_PER_W = _N // _NW
_R = 16
_CH = _R * _D
_STEPS = _ROWS_PER_W // _R


def _sc_body(enc_hbm, tab_hbm, out_hbm, tab_v, *bufs):
    enc_v, out_v = bufs[0:4], bufs[4:8]
    enc_s, out_s = bufs[8:12], bufs[12:16]
    wid = lax.axis_index("s") * 2 + lax.axis_index("c")
    wbase = wid * _ROWS_PER_W

    def off(t, b):
        return b * (_N * _D) + (wbase + t * _R) * _D

    for p in range(_B):
        pltpu.make_async_copy(
            enc_hbm.at[pl.ds(off(0, p), _CH)], enc_v[p], enc_s[p]).start()

    def step(g, carry):
        pltpu.sync_copy(tab_hbm.at[pl.ds((wbase + g * _R) * _D, _CH)], tab_v)

        for p in range(_B):
            o = off(g, p)

            pltpu.make_async_copy(
                enc_hbm.at[pl.ds(o, _CH)], enc_v[p], enc_s[p]).wait()

            @pl.when(g >= 1)
            def _():
                pltpu.make_async_copy(
                    out_v[p], out_hbm.at[pl.ds(o, _CH)], out_s[p]).wait()

            ev, ov = enc_v[p], out_v[p]

            @plsc.parallel_loop(0, _CH // 16, unroll=8)
            def _(j):
                sl = pl.ds(j * 16, 16)
                ov[sl] = ev[sl] + tab_v[sl]

            pltpu.make_async_copy(
                out_v[p], out_hbm.at[pl.ds(o, _CH)], out_s[p]).start()

            @pl.when(g < _STEPS - 1)
            def _():
                pltpu.make_async_copy(
                    enc_hbm.at[pl.ds(off(g + 1, p), _CH)],
                    enc_v[p], enc_s[p]).start()

        return carry

    lax.fori_loop(0, _STEPS, step, 0)

    for p in range(_B):
        pltpu.make_async_copy(
            out_v[p], out_hbm.at[pl.ds(0, _CH)], out_s[p]).wait()


_sc_kernel = functools.partial(
    pl.kernel,
    mesh=plsc.VectorSubcoreMesh(core_axis_name="c", subcore_axis_name="s"),
    out_type=jax.ShapeDtypeStruct((_B * _N * _D,), jnp.float32),
    scratch_types=(
        [pltpu.VMEM((_CH,), jnp.float32)] * 9
        + [pltpu.SemaphoreType.DMA] * 8
    ),
)(_sc_body)


def kernel(encoded_tokens, pos_table):
    b, n, d = encoded_tokens.shape
    flat = _sc_kernel(encoded_tokens.reshape(-1), pos_table.reshape(-1))
    return flat.reshape(b, n, d)

# --- scband reference (transcript-rebuilt; emitter-appended) ---
"""Pipeline reference for scband-positional-encoder-88862873354395 (READ-ONLY COPY).

The authoritative reference and input builder live on the scoring server;
editing this copy changes nothing except your own understanding.
"""

import jax, jax.numpy as jnp
import numpy as np

B, N, D = 4, 8192, 768

def setup_inputs(seed: int = 0) -> dict:
    key = jax.random.key(seed)
    k1, k2 = jax.random.split(key)
    encoded_tokens = jax.random.normal(k1, (B, N, D), dtype=jnp.float32)
    # The torch module instantiates nn.Embedding(N, embed_dim) inside forward;
    # we materialize that learned table here (default init ~ N(0,1)).
    pos_table = jax.random.normal(k2, (N, D), dtype=jnp.float32)
    return {"encoded_tokens": encoded_tokens, "pos_table": pos_table}

def reference(encoded_tokens, pos_table):
    b, n, _ = encoded_tokens.shape
    positions = jnp.broadcast_to(jnp.arange(n)[None, :], (b, n))  # [B, N]
    encoded_positions = jnp.take(pos_table, positions, axis=0)    # [B, N, D] gather
    return encoded_tokens + encoded_positions

if __name__ == "__main__":
    import jax
    _d = setup_inputs()
    print(jax.jit(kernel)(*tuple(_d.values())))

</pallas_src>

<mosaic_0001>
#map = affine_map<(d0, d1) -> (0)>
module attributes {stable_mosaic.version = 14 : i64} {
  func.func @_sc_body(%arg0: i32, %arg1: i32, %arg2: memref<25165824xf32, #tpu.memory_space<hbm>>, %arg3: memref<6291456xf32, #tpu.memory_space<hbm>>, %arg4: memref<25165824xf32, #tpu.memory_space<hbm>>, %arg5: memref<12288xf32, #tpu.memory_space<vmem>>, %arg6: memref<12288xf32, #tpu.memory_space<vmem>>, %arg7: memref<12288xf32, #tpu.memory_space<vmem>>, %arg8: memref<12288xf32, #tpu.memory_space<vmem>>, %arg9: memref<12288xf32, #tpu.memory_space<vmem>>, %arg10: memref<12288xf32, #tpu.memory_space<vmem>>, %arg11: memref<12288xf32, #tpu.memory_space<vmem>>, %arg12: memref<12288xf32, #tpu.memory_space<vmem>>, %arg13: memref<12288xf32, #tpu.memory_space<vmem>>, %arg14: memref<!tpu.dma_semaphore, #tpu.memory_space<semaphore_mem>>, %arg15: memref<!tpu.dma_semaphore, #tpu.memory_space<semaphore_mem>>, %arg16: memref<!tpu.dma_semaphore, #tpu.memory_space<semaphore_mem>>, %arg17: memref<!tpu.dma_semaphore, #tpu.memory_space<semaphore_mem>>, %arg18: memref<!tpu.dma_semaphore, #tpu.memory_space<semaphore_mem>>, %arg19: memref<!tpu.dma_semaphore, #tpu.memory_space<semaphore_mem>>, %arg20: memref<!tpu.dma_semaphore, #tpu.memory_space<semaphore_mem>>, %arg21: memref<!tpu.dma_semaphore, #tpu.memory_space<semaphore_mem>>) attributes {dimension_semantics = [#tpu.dimension_semantics<core_parallel>, #tpu.dimension_semantics<subcore_parallel>], iteration_bounds = array<i64: 2, 16>, scalar_prefetch = 0 : i64, scratch_operands = 17 : i64, tpu.core_type = #tpu.core_type<sc_vector_subcore>, window_params = [{transform_indices = #map}, {transform_indices = #map}, {transform_indices = #map}]} {
    %mul3A = arith.constant 2 : i32
    %mul3A_0 = arith.muli %arg1, %mul3A : i32
    %add3A = arith.addi %mul3A_0, %arg0 : i32
    %mul3A_1 = arith.constant 256 : i32
    %mul3A_2 = arith.muli %add3A, %mul3A_1 : i32
    %add3A_3 = arith.constant 0 : i32
    %add3A_4 = arith.addi %mul3A_2, %add3A_3 : i32
    %mul3A_5 = arith.constant 768 : i32
    %mul3A_6 = arith.muli %add3A_4, %mul3A_5 : i32
    %add3A_7 = arith.constant 0 : i32
    %add3A_8 = arith.addi %add3A_7, %mul3A_6 : i32
    %dma_start3A = tpu.memref_slice %arg2[%add3A_8] : memref<25165824xf32, #tpu.memory_space<hbm>> -> memref<12288xf32, #tpu.memory_space<hbm>>
    %dma_start3A_9 = tpu.memref_slice %arg2[%add3A_8] : memref<25165824xf32, #tpu.memory_space<hbm>> -> memref<12288xf32, #tpu.memory_space<hbm>>
    tpu.enqueue_dma source(%dma_start3A_9 : memref<12288xf32, #tpu.memory_space<hbm>>) target(%arg6 : memref<12288xf32, #tpu.memory_space<vmem>>) target_semaphore(%arg14 : memref<!tpu.dma_semaphore, #tpu.memory_space<semaphore_mem>>)
    %add3A_10 = arith.constant 0 : i32
    %add3A_11 = arith.addi %mul3A_2, %add3A_10 : i32
    %mul3A_12 = arith.constant 768 : i32
    %mul3A_13 = arith.muli %add3A_11, %mul3A_12 : i32
    %add3A_14 = arith.constant 6291456 : i32
    %add3A_15 = arith.addi %add3A_14, %mul3A_13 : i32
    %dma_start3A_16 = tpu.memref_slice %arg2[%add3A_15] : memref<25165824xf32, #tpu.memory_space<hbm>> -> memref<12288xf32, #tpu.memory_space<hbm>>
    %dma_start3A_17 = tpu.memref_slice %arg2[%add3A_15] : memref<25165824xf32, #tpu.memory_space<hbm>> -> memref<12288xf32, #tpu.memory_space<hbm>>
    tpu.enqueue_dma source(%dma_start3A_17 : memref<12288xf32, #tpu.memory_space<hbm>>) target(%arg7 : memref<12288xf32, #tpu.memory_space<vmem>>) target_semaphore(%arg15 : memref<!tpu.dma_semaphore, #tpu.memory_space<semaphore_mem>>)
    %add3A_18 = arith.constant 0 : i32
    %add3A_19 = arith.addi %mul3A_2, %add3A_18 : i32
    %mul3A_20 = arith.constant 768 : i32
    %mul3A_21 = arith.muli %add3A_19, %mul3A_20 : i32
    %add3A_22 = arith.constant 12582912 : i32
    %add3A_23 = arith.addi %add3A_22, %mul3A_21 : i32
    %dma_start3A_24 = tpu.memref_slice %arg2[%add3A_23] : memref<25165824xf32, #tpu.memory_space<hbm>> -> memref<12288xf32, #tpu.memory_space<hbm>>
    %dma_start3A_25 = tpu.memref_slice %arg2[%add3A_23] : memref<25165824xf32, #tpu.memory_space<hbm>> -> memref<12288xf32, #tpu.memory_space<hbm>>
    tpu.enqueue_dma source(%dma_start3A_25 : memref<12288xf32, #tpu.memory_space<hbm>>) target(%arg8 : memref<12288xf32, #tpu.memory_space<vmem>>) target_semaphore(%arg16 : memref<!tpu.dma_semaphore, #tpu.memory_space<semaphore_mem>>)
    %add3A_26 = arith.constant 0 : i32
    %add3A_27 = arith.addi %mul3A_2, %add3A_26 : i32
    %mul3A_28 = arith.constant 768 : i32
    %mul3A_29 = arith.muli %add3A_27, %mul3A_28 : i32
    %add3A_30 = arith.constant 18874368 : i32
    %add3A_31 = arith.addi %add3A_30, %mul3A_29 : i32
    %dma_start3A_32 = tpu.memref_slice %arg2[%add3A_31] : memref<25165824xf32, #tpu.memory_space<hbm>> -> memref<12288xf32, #tpu.memory_space<hbm>>
    %dma_start3A_33 = tpu.memref_slice %arg2[%add3A_31] : memref<25165824xf32, #tpu.memory_space<hbm>> -> memref<12288xf32, #tpu.memory_space<hbm>>
    tpu.enqueue_dma source(%dma_start3A_33 : memref<12288xf32, #tpu.memory_space<hbm>>) target(%arg9 : memref<12288xf32, #tpu.memory_space<vmem>>) target_semaphore(%arg17 : memref<!tpu.dma_semaphore, #tpu.memory_space<semaphore_mem>>)
    %scan3A = arith.constant 0 : i32
    %scan3A_34 = arith.constant 0 : i32
    %scan3A_35 = arith.constant 16 : i32
    %scan3A_36 = arith.addi %scan3A_34, %scan3A_35 : i32
    %scan3A_37 = arith.constant 1 : i32
    scf.for %scan3A_54 = %scan3A_34 to %scan3A_36 step %scan3A_37  : i32 {
      %mul3A_55 = arith.constant 16 : i32
      %mul3A_56 = arith.muli %scan3A_54, %mul3A_55 : i32
      %add3A_57 = arith.addi %mul3A_2, %mul3A_56 : i32
      %mul3A_58 = arith.constant 768 : i32
      %mul3A_59 = arith.muli %add3A_57, %mul3A_58 : i32
      "tpu.region"() ({
        %run_scoped3A = tpu.sem_alloc : memref<!tpu.dma_semaphore, #tpu.memory_space<semaphore_mem>>
        %dma_start3A_151 = tpu.memref_slice %arg3[%mul3A_59] : memref<6291456xf32, #tpu.memory_space<hbm>> -> memref<12288xf32, #tpu.memory_space<hbm>>
        %dma_start3A_152 = tpu.memref_slice %arg3[%mul3A_59] : memref<6291456xf32, #tpu.memory_space<hbm>> -> memref<12288xf32, #tpu.memory_space<hbm>>
        tpu.enqueue_dma source(%dma_start3A_152 : memref<12288xf32, #tpu.memory_space<hbm>>) target(%arg5 : memref<12288xf32, #tpu.memory_space<vmem>>) target_semaphore(%run_scoped3A : memref<!tpu.dma_semaphore, #tpu.memory_space<semaphore_mem>>)
        %dma_wait3A_153 = tpu.memref_slice %arg3[%mul3A_59] : memref<6291456xf32, #tpu.memory_space<hbm>> -> memref<12288xf32, #tpu.memory_space<hbm>>
        %dma_wait3A_154 = tpu.memref_slice %arg3[%mul3A_59] : memref<6291456xf32, #tpu.memory_space<hbm>> -> memref<12288xf32, #tpu.memory_space<hbm>>
        tpu.wait_dma2 semaphore(%run_scoped3A : memref<!tpu.dma_semaphore, #tpu.memory_space<semaphore_mem>>) src(%dma_wait3A_154 : memref<12288xf32, #tpu.memory_space<hbm>>) dst(%arg5 : memref<12288xf32, #tpu.memory_space<vmem>>)
        tpu.yield
      }) : () -> ()
      %mul3A_60 = arith.constant 16 : i32
      %mul3A_61 = arith.muli %scan3A_54, %mul3A_60 : i32
      %add3A_62 = arith.addi %mul3A_2, %mul3A_61 : i32
      %mul3A_63 = arith.constant 768 : i32
      %mul3A_64 = arith.muli %add3A_62, %mul3A_63 : i32
      %add3A_65 = arith.constant 0 : i32
      %add3A_66 = arith.addi %add3A_65, %mul3A_64 : i32
      %dma_wait3A_67 = tpu.memref_slice %arg2[%add3A_66] : memref<25165824xf32, #tpu.memory_space<hbm>> -> memref<12288xf32, #tpu.memory_space<hbm>>
      %dma_wait3A_68 = tpu.memref_slice %arg2[%add3A_66] : memref<25165824xf32, #tpu.memory_space<hbm>> -> memref<12288xf32, #tpu.memory_space<hbm>>
      tpu.wait_dma2 semaphore(%arg14 : memref<!tpu.dma_semaphore, #tpu.memory_space<semaphore_mem>>) src(%dma_wait3A_68 : memref<12288xf32, #tpu.memory_space<hbm>>) dst(%arg6 : memref<12288xf32, #tpu.memory_space<vmem>>)
      %ge3A = arith.constant 1 : i32
      %ge3A_69 = arith.cmpi sge, %scan3A_54, %ge3A : i32
      %convert_element_type3A = arith.extui %ge3A_69 : i1 to i32
      %cond3A = arith.constant 0 : i32
      %cond3A_70 = arith.cmpi ne, %convert_element_type3A, %cond3A : i32
      scf.if %cond3A_70 {
        %dma_wait3A_151 = tpu.memref_slice %arg4[%add3A_66] : memref<25165824xf32, #tpu.memory_space<hbm>> -> memref<12288xf32, #tpu.memory_space<hbm>>
        %dma_wait3A_152 = tpu.memref_slice %arg4[%add3A_66] : memref<25165824xf32, #tpu.memory_space<hbm>> -> memref<12288xf32, #tpu.memory_space<hbm>>
        tpu.wait_dma2 semaphore(%arg18 : memref<!tpu.dma_semaphore, #tpu.memory_space<semaphore_mem>>) src(%arg10 : memref<12288xf32, #tpu.memory_space<vmem>>) dst(%dma_wait3A_152 : memref<12288xf32, #tpu.memory_space<hbm>>)
      } else {
      }
      %parallel_loop3A = arith.constant 0 : i32
      %parallel_loop3A_71 = arith.constant 768 : i32
      %parallel_loop3A_72 = arith.constant 1 : i32
      scf.for %parallel_loop3A_151 = %parallel_loop3A to %parallel_loop3A_71 step %parallel_loop3A_72  : i32 {
        %parallel_loop3A_152 = arith.constant 16 : i32
        %parallel_loop3A_153 = arith.muli %parallel_loop3A_151, %parallel_loop3A_152 : i32
        %parallel_loop3A_154 = arith.index_cast %parallel_loop3A_153 : i32 to index
        %parallel_loop3A_155 = tpu.vector_load %arg6[%parallel_loop3A_154] {strides = array<i32>} : memref<12288xf32, #tpu.memory_space<vmem>>, vector<16xf32>,
        %parallel_loop3A_156 = vector.shape_cast %parallel_loop3A_155 : vector<16xf32> to vector<16xf32>
        %parallel_loop3A_157 = arith.index_cast %parallel_loop3A_153 : i32 to index
        %parallel_loop3A_158 = tpu.vector_load %arg5[%parallel_loop3A_157] {strides = array<i32>} : memref<12288xf32, #tpu.memory_space<vmem>>, vector<16xf32>,
        %parallel_loop3A_159 = vector.shape_cast %parallel_loop3A_158 : vector<16xf32> to vector<16xf32>
        %parallel_loop3A_160 = arith.addf %parallel_loop3A_156, %parallel_loop3A_159 : vector<16xf32>
        %parallel_loop3A_161 = arith.index_cast %parallel_loop3A_153 : i32 to index
        %parallel_loop3A_162 = tpu.vector_load %arg10[%parallel_loop3A_161] {strides = array<i32>} : memref<12288xf32, #tpu.memory_space<vmem>>, vector<16xf32>,
        %parallel_loop3A_163 = vector.shape_cast %parallel_loop3A_162 : vector<16xf32> to vector<16xf32>
        %parallel_loop3A_164 = vector.shape_cast %parallel_loop3A_160 : vector<16xf32> to vector<16xf32>
        tpu.vector_store %arg10[%parallel_loop3A_161], %parallel_loop3A_164 {strides = array<i32>} : memref<12288xf32, #tpu.memory_space<vmem>>, vector<16xf32>,
      } {sc.loop_unroll_factor = 8 : i64, sc.parallel_access}
      %dma_start3A_73 = tpu.memref_slice %arg4[%add3A_66] : memref<25165824xf32, #tpu.memory_space<hbm>> -> memref<12288xf32, #tpu.memory_space<hbm>>
      %dma_start3A_74 = tpu.memref_slice %arg4[%add3A_66] : memref<25165824xf32, #tpu.memory_space<hbm>> -> memref<12288xf32, #tpu.memory_space<hbm>>
      tpu.enqueue_dma source(%arg10 : memref<12288xf32, #tpu.memory_space<vmem>>) target(%dma_start3A_74 : memref<12288xf32, #tpu.memory_space<hbm>>) target_semaphore(%arg18 : memref<!tpu.dma_semaphore, #tpu.memory_space<semaphore_mem>>)
      %lt3A = arith.constant 15 : i32
      %lt3A_75 = arith.cmpi slt, %scan3A_54, %lt3A : i32
      %convert_element_type3A_76 = arith.extui %lt3A_75 : i1 to i32
      %cond3A_77 = arith.constant 0 : i32
      %cond3A_78 = arith.cmpi ne, %convert_element_type3A_76, %cond3A_77 : i32
      scf.if %cond3A_78 {
        %add3A_151 = arith.constant 1 : i32
        %add3A_152 = arith.addi %scan3A_54, %add3A_151 : i32
        %mul3A_153 = arith.constant 16 : i32
        %mul3A_154 = arith.muli %add3A_152, %mul3A_153 : i32
        %add3A_155 = arith.addi %mul3A_2, %mul3A_154 : i32
        %mul3A_156 = arith.constant 768 : i32
        %mul3A_157 = arith.muli %add3A_155, %mul3A_156 : i32
        %add3A_158 = arith.constant 0 : i32
        %add3A_159 = arith.addi %add3A_158, %mul3A_157 : i32
        %dma_start3A_160 = tpu.memref_slice %arg2[%add3A_159] : memref<25165824xf32, #tpu.memory_space<hbm>> -> memref<12288xf32, #tpu.memory_space<hbm>>
        %dma_start3A_161 = tpu.memref_slice %arg2[%add3A_159] : memref<25165824xf32, #tpu.memory_space<hbm>> -> memref<12288xf32, #tpu.memory_space<hbm>>
        tpu.enqueue_dma source(%dma_start3A_161 : memref<12288xf32, #tpu.memory_space<hbm>>) target(%arg6 : memref<12288xf32, #tpu.memory_space<vmem>>) target_semaphore(%arg14 : memref<!tpu.dma_semaphore, #tpu.memory_space<semaphore_mem>>)
      } else {
      }
      %mul3A_79 = arith.constant 16 : i32
      %mul3A_80 = arith.muli %scan3A_54, %mul3A_79 : i32
      %add3A_81 = arith.addi %mul3A_2, %mul3A_80 : i32
      %mul3A_82 = arith.constant 768 : i32
      %mul3A_83 = arith.muli %add3A_81, %mul3A_82 : i32
      %add3A_84 = arith.constant 6291456 : i32
      %add3A_85 = arith.addi %add3A_84, %mul3A_83 : i32
      %dma_wait3A_86 = tpu.memref_slice %arg2[%add3A_85] : memref<25165824xf32, #tpu.memory_space<hbm>> -> memref<12288xf32, #tpu.memory_space<hbm>>
      %dma_wait3A_87 = tpu.memref_slice %arg2[%add3A_85] : memref<25165824xf32, #tpu.memory_space<hbm>> -> memref<12288xf32, #tpu.memory_space<hbm>>
      tpu.wait_dma2 semaphore(%arg15 : memref<!tpu.dma_semaphore, #tpu.memory_space<semaphore_mem>>) src(%dma_wait3A_87 : memref<12288xf32, #tpu.memory_space<hbm>>) dst(%arg7 : memref<12288xf32, #tpu.memory_space<vmem>>)
      %ge3A_88 = arith.constant 1 : i32
      %ge3A_89 = arith.cmpi sge, %scan3A_54, %ge3A_88 : i32
      %convert_element_type3A_90 = arith.extui %ge3A_89 : i1 to i32
      %cond3A_91 = arith.constant 0 : i32
      %cond3A_92 = arith.cmpi ne, %convert_element_type3A_90, %cond3A_91 : i32
      scf.if %cond3A_92 {
        %dma_wait3A_151 = tpu.memref_slice %arg4[%add3A_85] : memref<25165824xf32, #tpu.memory_space<hbm>> -> memref<12288xf32, #tpu.memory_space<hbm>>
        %dma_wait3A_152 = tpu.memref_slice %arg4[%add3A_85] : memref<25165824xf32, #tpu.memory_space<hbm>> -> memref<12288xf32, #tpu.memory_space<hbm>>
        tpu.wait_dma2 semaphore(%arg19 : memref<!tpu.dma_semaphore, #tpu.memory_space<semaphore_mem>>) src(%arg11 : memref<12288xf32, #tpu.memory_space<vmem>>) dst(%dma_wait3A_152 : memref<12288xf32, #tpu.memory_space<hbm>>)
      } else {
      }
      %parallel_loop3A_93 = arith.constant 0 : i32
      %parallel_loop3A_94 = arith.constant 768 : i32
      %parallel_loop3A_95 = arith.constant 1 : i32
      scf.for %parallel_loop3A_151 = %parallel_loop3A_93 to %parallel_loop3A_94 step %parallel_loop3A_95  : i32 {
        %parallel_loop3A_152 = arith.constant 16 : i32
        %parallel_loop3A_153 = arith.muli %parallel_loop3A_151, %parallel_loop3A_152 : i32
        %parallel_loop3A_154 = arith.index_cast %parallel_loop3A_153 : i32 to index
        %parallel_loop3A_155 = tpu.vector_load %arg7[%parallel_loop3A_154] {strides = array<i32>} : memref<12288xf32, #tpu.memory_space<vmem>>, vector<16xf32>,
        %parallel_loop3A_156 = vector.shape_cast %parallel_loop3A_155 : vector<16xf32> to vector<16xf32>
        %parallel_loop3A_157 = arith.index_cast %parallel_loop3A_153 : i32 to index
        %parallel_loop3A_158 = tpu.vector_load %arg5[%parallel_loop3A_157] {strides = array<i32>} : memref<12288xf32, #tpu.memory_space<vmem>>, vector<16xf32>,
        %parallel_loop3A_159 = vector.shape_cast %parallel_loop3A_158 : vector<16xf32> to vector<16xf32>
        %parallel_loop3A_160 = arith.addf %parallel_loop3A_156, %parallel_loop3A_159 : vector<16xf32>
        %parallel_loop3A_161 = arith.index_cast %parallel_loop3A_153 : i32 to index
        %parallel_loop3A_162 = tpu.vector_load %arg11[%parallel_loop3A_161] {strides = array<i32>} : memref<12288xf32, #tpu.memory_space<vmem>>, vector<16xf32>,
        %parallel_loop3A_163 = vector.shape_cast %parallel_loop3A_162 : vector<16xf32> to vector<16xf32>
        %parallel_loop3A_164 = vector.shape_cast %parallel_loop3A_160 : vector<16xf32> to vector<16xf32>
        tpu.vector_store %arg11[%parallel_loop3A_161], %parallel_loop3A_164 {strides = array<i32>} : memref<12288xf32, #tpu.memory_space<vmem>>, vector<16xf32>,
      } {sc.loop_unroll_factor = 8 : i64, sc.parallel_access}
      %dma_start3A_96 = tpu.memref_slice %arg4[%add3A_85] : memref<25165824xf32, #tpu.memory_space<hbm>> -> memref<12288xf32, #tpu.memory_space<hbm>>
      %dma_start3A_97 = tpu.memref_slice %arg4[%add3A_85] : memref<25165824xf32, #tpu.memory_space<hbm>> -> memref<12288xf32, #tpu.memory_space<hbm>>
      tpu.enqueue_dma source(%arg11 : memref<12288xf32, #tpu.memory_space<vmem>>) target(%dma_start3A_97 : memref<12288xf32, #tpu.memory_space<hbm>>) target_semaphore(%arg19 : memref<!tpu.dma_semaphore, #tpu.memory_space<semaphore_mem>>)
      %lt3A_98 = arith.constant 15 : i32
      %lt3A_99 = arith.cmpi slt, %scan3A_54, %lt3A_98 : i32
      %convert_element_type3A_100 = arith.extui %lt3A_99 : i1 to i32
      %cond3A_101 = arith.constant 0 : i32
      %cond3A_102 = arith.cmpi ne, %convert_element_type3A_100, %cond3A_101 : i32
      scf.if %cond3A_102 {
        %add3A_151 = arith.constant 1 : i32
        %add3A_152 = arith.addi %scan3A_54, %add3A_151 : i32
        %mul3A_153 = arith.constant 16 : i32
        %mul3A_154 = arith.muli %add3A_152, %mul3A_153 : i32
        %add3A_155 = arith.addi %mul3A_2, %mul3A_154 : i32
        %mul3A_156 = arith.constant 768 : i32
        %mul3A_157 = arith.muli %add3A_155, %mul3A_156 : i32
        %add3A_158 = arith.constant 6291456 : i32
        %add3A_159 = arith.addi %add3A_158, %mul3A_157 : i32
        %dma_start3A_160 = tpu.memref_slice %arg2[%add3A_159] : memref<25165824xf32, #tpu.memory_space<hbm>> -> memref<12288xf32, #tpu.memory_space<hbm>>
        %dma_start3A_161 = tpu.memref_slice %arg2[%add3A_159] : memref<25165824xf32, #tpu.memory_space<hbm>> -> memref<12288xf32, #tpu.memory_space<hbm>>
        tpu.enqueue_dma source(%dma_start3A_161 : memref<12288xf32, #tpu.memory_space<hbm>>) target(%arg7 : memref<12288xf32, #tpu.memory_space<vmem>>) target_semaphore(%arg15 : memref<!tpu.dma_semaphore, #tpu.memory_space<semaphore_mem>>)
      } else {
      }
      %mul3A_103 = arith.constant 16 : i32
      %mul3A_104 = arith.muli %scan3A_54, %mul3A_103 : i32
      %add3A_105 = arith.addi %mul3A_2, %mul3A_104 : i32
      %mul3A_106 = arith.constant 768 : i32
      %mul3A_107 = arith.muli %add3A_105, %mul3A_106 : i32
      %add3A_108 = arith.constant 12582912 : i32
      %add3A_109 = arith.addi %add3A_108, %mul3A_107 : i32
      %dma_wait3A_110 = tpu.memref_slice %arg2[%add3A_109] : memref<25165824xf32, #tpu.memory_space<hbm>> -> memref<12288xf32, #tpu.memory_space<hbm>>
      %dma_wait3A_111 = tpu.memref_slice %arg2[%add3A_109] : memref<25165824xf32, #tpu.memory_space<hbm>> -> memref<12288xf32, #tpu.memory_space<hbm>>
      tpu.wait_dma2 semaphore(%arg16 : memref<!tpu.dma_semaphore, #tpu.memory_space<semaphore_mem>>) src(%dma_wait3A_111 : memref<12288xf32, #tpu.memory_space<hbm>>) dst(%arg8 : memref<12288xf32, #tpu.memory_space<vmem>>)
      %ge3A_112 = arith.constant 1 : i32
      %ge3A_113 = arith.cmpi sge, %scan3A_54, %ge3A_112 : i32
      %convert_element_type3A_114 = arith.extui %ge3A_113 : i1 to i32
      %cond3A_115 = arith.constant 0 : i32
      %cond3A_116 = arith.cmpi ne, %convert_element_type3A_114, %cond3A_115 : i32
      scf.if %cond3A_116 {
        %dma_wait3A_151 = tpu.memref_slice %arg4[%add3A_109] : memref<25165824xf32, #tpu.memory_space<hbm>> -> memref<12288xf32, #tpu.memory_space<hbm>>
        %dma_wait3A_152 = tpu.memref_slice %arg4[%add3A_109] : memref<25165824xf32, #tpu.memory_space<hbm>> -> memref<12288xf32, #tpu.memory_space<hbm>>
        tpu.wait_dma2 semaphore(%arg20 : memref<!tpu.dma_semaphore, #tpu.memory_space<semaphore_mem>>) src(%arg12 : memref<12288xf32, #tpu.memory_space<vmem>>) dst(%dma_wait3A_152 : memref<12288xf32, #tpu.memory_space<hbm>>)
      } else {
      }
      %parallel_loop3A_117 = arith.constant 0 : i32
      %parallel_loop3A_118 = arith.constant 768 : i32
      %parallel_loop3A_119 = arith.constant 1 : i32
      scf.for %parallel_loop3A_151 = %parallel_loop3A_117 to %parallel_loop3A_118 step %parallel_loop3A_119  : i32 {
        %parallel_loop3A_152 = arith.constant 16 : i32
        %parallel_loop3A_153 = arith.muli %parallel_loop3A_151, %parallel_loop3A_152 : i32
        %parallel_loop3A_154 = arith.index_cast %parallel_loop3A_153 : i32 to index
        %parallel_loop3A_155 = tpu.vector_load %arg8[%parallel_loop3A_154] {strides = array<i32>} : memref<12288xf32, #tpu.memory_space<vmem>>, vector<16xf32>,
        %parallel_loop3A_156 = vector.shape_cast %parallel_loop3A_155 : vector<16xf32> to vector<16xf32>
        %parallel_loop3A_157 = arith.index_cast %parallel_loop3A_153 : i32 to index
        %parallel_loop3A_158 = tpu.vector_load %arg5[%parallel_loop3A_157] {strides = array<i32>} : memref<12288xf32, #tpu.memory_space<vmem>>, vector<16xf32>,
        %parallel_loop3A_159 = vector.shape_cast %parallel_loop3A_158 : vector<16xf32> to vector<16xf32>
        %parallel_loop3A_160 = arith.addf %parallel_loop3A_156, %parallel_loop3A_159 : vector<16xf32>
        %parallel_loop3A_161 = arith.index_cast %parallel_loop3A_153 : i32 to index
        %parallel_loop3A_162 = tpu.vector_load %arg12[%parallel_loop3A_161] {strides = array<i32>} : memref<12288xf32, #tpu.memory_space<vmem>>, vector<16xf32>,
        %parallel_loop3A_163 = vector.shape_cast %parallel_loop3A_162 : vector<16xf32> to vector<16xf32>
        %parallel_loop3A_164 = vector.shape_cast %parallel_loop3A_160 : vector<16xf32> to vector<16xf32>
        tpu.vector_store %arg12[%parallel_loop3A_161], %parallel_loop3A_164 {strides = array<i32>} : memref<12288xf32, #tpu.memory_space<vmem>>, vector<16xf32>,
      } {sc.loop_unroll_factor = 8 : i64, sc.parallel_access}
      %dma_start3A_120 = tpu.memref_slice %arg4[%add3A_109] : memref<25165824xf32, #tpu.memory_space<hbm>> -> memref<12288xf32, #tpu.memory_space<hbm>>
      %dma_start3A_121 = tpu.memref_slice %arg4[%add3A_109] : memref<25165824xf32, #tpu.memory_space<hbm>> -> memref<12288xf32, #tpu.memory_space<hbm>>
      tpu.enqueue_dma source(%arg12 : memref<12288xf32, #tpu.memory_space<vmem>>) target(%dma_start3A_121 : memref<12288xf32, #tpu.memory_space<hbm>>) target_semaphore(%arg20 : memref<!tpu.dma_semaphore, #tpu.memory_space<semaphore_mem>>)
      %lt3A_122 = arith.constant 15 : i32
      %lt3A_123 = arith.cmpi slt, %scan3A_54, %lt3A_122 : i32
      %convert_element_type3A_124 = arith.extui %lt3A_123 : i1 to i32
      %cond3A_125 = arith.constant 0 : i32
      %cond3A_126 = arith.cmpi ne, %convert_element_type3A_124, %cond3A_125 : i32
      scf.if %cond3A_126 {
        %add3A_151 = arith.constant 1 : i32
        %add3A_152 = arith.addi %scan3A_54, %add3A_151 : i32
        %mul3A_153 = arith.constant 16 : i32
        %mul3A_154 = arith.muli %add3A_152, %mul3A_153 : i32
        %add3A_155 = arith.addi %mul3A_2, %mul3A_154 : i32
        %mul3A_156 = arith.constant 768 : i32
        %mul3A_157 = arith.muli %add3A_155, %mul3A_156 : i32
        %add3A_158 = arith.constant 12582912 : i32
        %add3A_159 = arith.addi %add3A_158, %mul3A_157 : i32
        %dma_start3A_160 = tpu.memref_slice %arg2[%add3A_159] : memref<25165824xf32, #tpu.memory_space<hbm>> -> memref<12288xf32, #tpu.memory_space<hbm>>
        %dma_start3A_161 = tpu.memref_slice %arg2[%add3A_159] : memref<25165824xf32, #tpu.memory_space<hbm>> -> memref<12288xf32, #tpu.memory_space<hbm>>
        tpu.enqueue_dma source(%dma_start3A_161 : memref<12288xf32, #tpu.memory_space<hbm>>) target(%arg8 : memref<12288xf32, #tpu.memory_space<vmem>>) target_semaphore(%arg16 : memref<!tpu.dma_semaphore, #tpu.memory_space<semaphore_mem>>)
      } else {
      }
      %mul3A_127 = arith.constant 16 : i32
      %mul3A_128 = arith.muli %scan3A_54, %mul3A_127 : i32
      %add3A_129 = arith.addi %mul3A_2, %mul3A_128 : i32
      %mul3A_130 = arith.constant 768 : i32
      %mul3A_131 = arith.muli %add3A_129, %mul3A_130 : i32
      %add3A_132 = arith.constant 18874368 : i32
      %add3A_133 = arith.addi %add3A_132, %mul3A_131 : i32
      %dma_wait3A_134 = tpu.memref_slice %arg2[%add3A_133] : memref<25165824xf32, #tpu.memory_space<hbm>> -> memref<12288xf32, #tpu.memory_space<hbm>>
      %dma_wait3A_135 = tpu.memref_slice %arg2[%add3A_133] : memref<25165824xf32, #tpu.memory_space<hbm>> -> memref<12288xf32, #tpu.memory_space<hbm>>
      tpu.wait_dma2 semaphore(%arg17 : memref<!tpu.dma_semaphore, #tpu.memory_space<semaphore_mem>>) src(%dma_wait3A_135 : memref<12288xf32, #tpu.memory_space<hbm>>) dst(%arg9 : memref<12288xf32, #tpu.memory_space<vmem>>)
      %ge3A_136 = arith.constant 1 : i32
      %ge3A_137 = arith.cmpi sge, %scan3A_54, %ge3A_136 : i32
      %convert_element_type3A_138 = arith.extui %ge3A_137 : i1 to i32
      %cond3A_139 = arith.constant 0 : i32
      %cond3A_140 = arith.cmpi ne, %convert_element_type3A_138, %cond3A_139 : i32
      scf.if %cond3A_140 {
        %dma_wait3A_151 = tpu.memref_slice %arg4[%add3A_133] : memref<25165824xf32, #tpu.memory_space<hbm>> -> memref<12288xf32, #tpu.memory_space<hbm>>
        %dma_wait3A_152 = tpu.memref_slice %arg4[%add3A_133] : memref<25165824xf32, #tpu.memory_space<hbm>> -> memref<12288xf32, #tpu.memory_space<hbm>>
        tpu.wait_dma2 semaphore(%arg21 : memref<!tpu.dma_semaphore, #tpu.memory_space<semaphore_mem>>) src(%arg13 : memref<12288xf32, #tpu.memory_space<vmem>>) dst(%dma_wait3A_152 : memref<12288xf32, #tpu.memory_space<hbm>>)
      } else {
      }
      %parallel_loop3A_141 = arith.constant 0 : i32
      %parallel_loop3A_142 = arith.constant 768 : i32
      %parallel_loop3A_143 = arith.constant 1 : i32
      scf.for %parallel_loop3A_151 = %parallel_loop3A_141 to %parallel_loop3A_142 step %parallel_loop3A_143  : i32 {
        %parallel_loop3A_152 = arith.constant 16 : i32
        %parallel_loop3A_153 = arith.muli %parallel_loop3A_151, %parallel_loop3A_152 : i32
        %parallel_loop3A_154 = arith.index_cast %parallel_loop3A_153 : i32 to index
        %parallel_loop3A_155 = tpu.vector_load %arg9[%parallel_loop3A_154] {strides = array<i32>} : memref<12288xf32, #tpu.memory_space<vmem>>, vector<16xf32>,
        %parallel_loop3A_156 = vector.shape_cast %parallel_loop3A_155 : vector<16xf32> to vector<16xf32>
        %parallel_loop3A_157 = arith.index_cast %parallel_loop3A_153 : i32 to index
        %parallel_loop3A_158 = tpu.vector_load %arg5[%parallel_loop3A_157] {strides = array<i32>} : memref<12288xf32, #tpu.memory_space<vmem>>, vector<16xf32>,
        %parallel_loop3A_159 = vector.shape_cast %parallel_loop3A_158 : vector<16xf32> to vector<16xf32>
        %parallel_loop3A_160 = arith.addf %parallel_loop3A_156, %parallel_loop3A_159 : vector<16xf32>
        %parallel_loop3A_161 = arith.index_cast %parallel_loop3A_153 : i32 to index
        %parallel_loop3A_162 = tpu.vector_load %arg13[%parallel_loop3A_161] {strides = array<i32>} : memref<12288xf32, #tpu.memory_space<vmem>>, vector<16xf32>,
        %parallel_loop3A_163 = vector.shape_cast %parallel_loop3A_162 : vector<16xf32> to vector<16xf32>
        %parallel_loop3A_164 = vector.shape_cast %parallel_loop3A_160 : vector<16xf32> to vector<16xf32>
        tpu.vector_store %arg13[%parallel_loop3A_161], %parallel_loop3A_164 {strides = array<i32>} : memref<12288xf32, #tpu.memory_space<vmem>>, vector<16xf32>,
      } {sc.loop_unroll_factor = 8 : i64, sc.parallel_access}
      %dma_start3A_144 = tpu.memref_slice %arg4[%add3A_133] : memref<25165824xf32, #tpu.memory_space<hbm>> -> memref<12288xf32, #tpu.memory_space<hbm>>
      %dma_start3A_145 = tpu.memref_slice %arg4[%add3A_133] : memref<25165824xf32, #tpu.memory_space<hbm>> -> memref<12288xf32, #tpu.memory_space<hbm>>
      tpu.enqueue_dma source(%arg13 : memref<12288xf32, #tpu.memory_space<vmem>>) target(%dma_start3A_145 : memref<12288xf32, #tpu.memory_space<hbm>>) target_semaphore(%arg21 : memref<!tpu.dma_semaphore, #tpu.memory_space<semaphore_mem>>)
      %lt3A_146 = arith.constant 15 : i32
      %lt3A_147 = arith.cmpi slt, %scan3A_54, %lt3A_146 : i32
      %convert_element_type3A_148 = arith.extui %lt3A_147 : i1 to i32
      %cond3A_149 = arith.constant 0 : i32
      %cond3A_150 = arith.cmpi ne, %convert_element_type3A_148, %cond3A_149 : i32
      scf.if %cond3A_150 {
        %add3A_151 = arith.constant 1 : i32
        %add3A_152 = arith.addi %scan3A_54, %add3A_151 : i32
        %mul3A_153 = arith.constant 16 : i32
        %mul3A_154 = arith.muli %add3A_152, %mul3A_153 : i32
        %add3A_155 = arith.addi %mul3A_2, %mul3A_154 : i32
        %mul3A_156 = arith.constant 768 : i32
        %mul3A_157 = arith.muli %add3A_155, %mul3A_156 : i32
        %add3A_158 = arith.constant 18874368 : i32
        %add3A_159 = arith.addi %add3A_158, %mul3A_157 : i32
        %dma_start3A_160 = tpu.memref_slice %arg2[%add3A_159] : memref<25165824xf32, #tpu.memory_space<hbm>> -> memref<12288xf32, #tpu.memory_space<hbm>>
        %dma_start3A_161 = tpu.memref_slice %arg2[%add3A_159] : memref<25165824xf32, #tpu.memory_space<hbm>> -> memref<12288xf32, #tpu.memory_space<hbm>>
        tpu.enqueue_dma source(%dma_start3A_161 : memref<12288xf32, #tpu.memory_space<hbm>>) target(%arg9 : memref<12288xf32, #tpu.memory_space<vmem>>) target_semaphore(%arg17 : memref<!tpu.dma_semaphore, #tpu.memory_space<semaphore_mem>>)
      } else {
      }
    }
    %scan3A_38 = arith.constant 16 : i32
    %dma_wait3A = arith.constant 0 : i32
    %dma_wait3A_39 = tpu.memref_slice %arg4[%dma_wait3A] : memref<25165824xf32, #tpu.memory_space<hbm>> -> memref<12288xf32, #tpu.memory_space<hbm>>
    %dma_wait3A_40 = arith.constant 0 : i32
    %dma_wait3A_41 = tpu.memref_slice %arg4[%dma_wait3A_40] : memref<25165824xf32, #tpu.memory_space<hbm>> -> memref<12288xf32, #tpu.memory_space<hbm>>
    tpu.wait_dma2 semaphore(%arg18 : memref<!tpu.dma_semaphore, #tpu.memory_space<semaphore_mem>>) src(%arg10 : memref<12288xf32, #tpu.memory_space<vmem>>) dst(%dma_wait3A_41 : memref<12288xf32, #tpu.memory_space<hbm>>)
    %dma_wait3A_42 = arith.constant 0 : i32
    %dma_wait3A_43 = tpu.memref_slice %arg4[%dma_wait3A_42] : memref<25165824xf32, #tpu.memory_space<hbm>> -> memref<12288xf32, #tpu.memory_space<hbm>>
    %dma_wait3A_44 = arith.constant 0 : i32
    %dma_wait3A_45 = tpu.memref_slice %arg4[%dma_wait3A_44] : memref<25165824xf32, #tpu.memory_space<hbm>> -> memref<12288xf32, #tpu.memory_space<hbm>>
    tpu.wait_dma2 semaphore(%arg19 : memref<!tpu.dma_semaphore, #tpu.memory_space<semaphore_mem>>) src(%arg11 : memref<12288xf32, #tpu.memory_space<vmem>>) dst(%dma_wait3A_45 : memref<12288xf32, #tpu.memory_space<hbm>>)
    %dma_wait3A_46 = arith.constant 0 : i32
    %dma_wait3A_47 = tpu.memref_slice %arg4[%dma_wait3A_46] : memref<25165824xf32, #tpu.memory_space<hbm>> -> memref<12288xf32, #tpu.memory_space<hbm>>
    %dma_wait3A_48 = arith.constant 0 : i32
    %dma_wait3A_49 = tpu.memref_slice %arg4[%dma_wait3A_48] : memref<25165824xf32, #tpu.memory_space<hbm>> -> memref<12288xf32, #tpu.memory_space<hbm>>
    tpu.wait_dma2 semaphore(%arg20 : memref<!tpu.dma_semaphore, #tpu.memory_space<semaphore_mem>>) src(%arg12 : memref<12288xf32, #tpu.memory_space<vmem>>) dst(%dma_wait3A_49 : memref<12288xf32, #tpu.memory_space<hbm>>)
    %dma_wait3A_50 = arith.constant 0 : i32
    %dma_wait3A_51 = tpu.memref_slice %arg4[%dma_wait3A_50] : memref<25165824xf32, #tpu.memory_space<hbm>> -> memref<12288xf32, #tpu.memory_space<hbm>>
    %dma_wait3A_52 = arith.constant 0 : i32
    %dma_wait3A_53 = tpu.memref_slice %arg4[%dma_wait3A_52] : memref<25165824xf32, #tpu.memory_space<hbm>> -> memref<12288xf32, #tpu.memory_space<hbm>>
    tpu.wait_dma2 semaphore(%arg21 : memref<!tpu.dma_semaphore, #tpu.memory_space<semaphore_mem>>) src(%arg13 : memref<12288xf32, #tpu.memory_space<vmem>>) dst(%dma_wait3A_53 : memref<12288xf32, #tpu.memory_space<hbm>>)
    return
  }
}

</mosaic_0001>

<sc_bundles>
// kernel: kernel.3.cloned.1.call-start
scs
__scs_entry_jumppad:
0x0: {  	(pc) =	sbr.rel $0x88, $3  }
0x1: {  	(tag) =	ssettag $0x0;
	lr =	simm.s32 $0x1  }
0x2: {  	[smem:$0x3F9F] =	sst lr;
	_ =	strace $0xD0000000  }
0x3: {  	_ = 	snop  }
0x4: {  	_ = 	snop  }
0x5: {  	_ = 	snop  }
0x6: {  	_ = 	snop  }
0x7: {  	_ = 	snop  }
__scs_overlays_trampoline_lowered:
0x8: {  	[smem:$0x3FAE] =	sst s0  }
0x9: {  	[smem:$0x3FAF] =	sst s1  }
0xa: {  	[smem:$0x3FB0] =	sst s2  }
0xb: {  	[smem:$0x3FB1] =	sst s3  }
0xc: {  	[smem:$0x3FB2] =	sst s4  }
0xd: {  	[smem:$0x3FB3] =	sst s5  }
0xe: {  	[smem:$0x3FB4] =	sst s6  }
0xf: {  	[smem:$0x3FB5] =	sst s7  }
0x10: {  	[smem:$0x3FB6] =	sst s8  }
0x11: {  	[smem:$0x3FB7] =	sst s9;
	s0 =	simm.s32 @!p0 $0x0  }
0x12: {  	s1 =	sld [smem:$0x3F9D];
	s0 =	simm.s32 @p0 $0x1  }
0x13: {  	[smem:$0x3FB8] =	sst s0;
	s0 =	simm.s32 @!p1 $0x0  }
0x14: {  	s2 =	sld [smem:$0x3F9C];
	s0 =	simm.s32 @p1 $0x1  }
0x15: {  	[smem:$0x3FB9] =	sst s0;
	s0 =	simm.s32 @!p2 $0x0  }
0x16: {  	s3 =	sld [smem:$0x3FDB];
	s0 =	simm.s32 @p2 $0x1  }
0x17: {  	s4 =	simm.s32 $0x1BF5;
	[smem:$0x3FBB] =	sst s0  }
0x18: {  	s0 =	sld [smem:$0x3F9E];
	_ =	swait.ge [sflag:s4], $0x0  }
0x19: {  	s7 =	sld [smem:$0x3F9F]  }
0x1a: {  	s8 =	sadd.s32 $0xFFFFE003, lr  }
0x1b: {  	s9 =	sadd.s32 $0xFFFFFEF7, lr;
	s5 =	simm.s32 $0xFFFFFFFF;
	p2 =	slt.u32 s8, $0xFFFFF086  }
0x1c: {  	p1 =	slt.u32 s9, $0xF7A;
	s5 =	simm.s32 @!p2 $0x0  }
0x1d: {  	s5 =	simm.s32 @p1 $0x1;
	p0 =	seq.s32 s7, s2  }
0x1e: {  	s7 =	smul.u32 @!p0 $0xF7A, s2;
	p2 =	seq.s32 @!p0 s5, $0x0  }
0x1f: {  	s9 =	smul.u32 $0xF7A, s1;
	s8 =	simm.s32 @!p0 $0x1BF5;
	p2 =	por !p2, p0  }
0x20: {  	[sflag:s8] =	ssyncset.s32 @!p0 $0xFFFFF086;
	s6 =	sadd.s32 @!p0 s3, s7;
	s7 =	simm.s32 @!p0 $0x108  }
0x21: {  	s3 =	sadd.s32 s3, s9;
	s6 =	sadd.s32 @!p0 $0x88, s6;
	s7 =	simm.s32 @p2 $0x1082  }
0x22: {  	[simem:s7], [sflag:s8] =	dma.local @!p0 [hbm:s6], $0xF7A  }
0x23: {  	s9 =	sor.u32 $0xD0000000, s2;
	s6 =	simm.s32 $0x108;
	_ =	swait.ge @!p0 [sflag:s8], $0x0  }
0x24: {  	s3 =	sadd.s32 $0x88, s3;
	s6 =	simm.s32 @!p1 $0x1082;
	[sflag:s4] =	ssyncset.s32 $0xFFFFF086  }
0x25: {  	[simem:s6], [sflag:s4] =	dma.local [hbm:s3], $0xF7A  }
0x26: {  	[smem:$0x3F9F] =	sst s1;
	(tag) =	ssettag s2;
	_ =	strace s9  }
0x27: {  	s1 =	sld [smem:$0x3FAF]  }
0x28: {  	s2 =	sld [smem:$0x3FB0]  }
0x29: {  	s4 =	sld [smem:$0x3FB2]  }
0x2a: {  	p0 =	seq.s32 s5, $0x0;
	s5 =	sld [smem:$0x3FB3]  }
0x2b: {  	s6 =	sld [smem:$0x3FB4]  }
0x2c: {  	s7 =	sld [smem:$0x3FB5]  }
0x2d: {  	s3 =	simm.s32 $0x108;
	s8 =	sld [smem:$0x3FB6]  }
0x2e: {  	s3 =	simm.s32 @!p0 $0x1082;
	s9 =	sld [smem:$0x3FB7]  }
0x2f: {  	lr =	sadd.s32 s0, s3;
	s0 =	sld [smem:$0x3FAE]  }
0x30: {  	s3 =	sld [smem:$0x3FB1]  }
0x31: {  	[smem:$0x3FBA] =	sst s10  }
0x32: {  	s10 =	sld [smem:$0x3FB8];
	_ =	sdelay $0x3  }
0x33: {  	p0 =	seq.s32 s10, $0x1;
	s10 =	sld [smem:$0x3FBA];
	_ =	sdelay $0x3  }
0x34: {  	[smem:$0x3FBA] =	sst s10  }
0x35: {  	s10 =	sld [smem:$0x3FB9];
	_ =	sdelay $0x3  }
0x36: {  	p1 =	seq.s32 s10, $0x1;
	s10 =	sld [smem:$0x3FBA];
	_ =	sdelay $0x3  }
0x37: {  	[smem:$0x3FBA] =	sst s10  }
0x38: {  	s10 =	sld [smem:$0x3FBB]  }
0x39: {  	_ = 	snop;
	(pc) =	sbr.ind lr, $3  }
0x3a: {  	_ = 	snop  }
0x3b: {  	_ = 	snop  }
0x3c: {  	p2 =	seq.s32 s10, $0x1;
	s10 =	sld [smem:$0x3FBA]  }
0x3d: {  	_ =	shalt  }
0x3e: {  	_ =	shalt  }
0x3f: {  	_ =	shalt  }
0x40: {  	_ =	shalt  }
0x41: {  	_ =	shalt  }
0x42: {  	_ =	shalt  }
0x43: {  	_ =	shalt  }
0x44: {  	_ =	shalt  }
0x45: {  	_ =	shalt  }
0x46: {  	_ =	shalt  }
0x47: {  	_ =	shalt  }
0x48: {  	_ =	shalt  }
0x49: {  	_ =	shalt  }
0x4a: {  	_ =	shalt  }
0x4b: {  	_ =	shalt  }
0x4c: {  	_ =	shalt  }
0x4d: {  	_ =	shalt  }
0x4e: {  	_ =	shalt  }
0x4f: {  	_ =	shalt  }
0x50: {  	_ =	shalt  }
0x51: {  	_ =	shalt  }
0x52: {  	_ =	shalt  }
0x53: {  	_ =	shalt  }
0x54: {  	_ =	shalt  }
0x55: {  	_ =	shalt  }
0x56: {  	_ =	shalt  }
0x57: {  	_ =	shalt  }
0x58: {  	_ =	shalt  }
0x59: {  	_ =	shalt  }
0x5a: {  	_ =	shalt  }
0x5b: {  	_ =	shalt  }
0x5c: {  	_ =	shalt  }
0x5d: {  	_ =	shalt  }
0x5e: {  	_ =	shalt  }
0x5f: {  	_ =	shalt  }
0x60: {  	_ =	shalt  }
0x61: {  	_ =	shalt  }
0x62: {  	_ =	shalt  }
0x63: {  	_ =	shalt  }
0x64: {  	_ =	shalt  }
0x65: {  	_ =	shalt  }
0x66: {  	_ =	shalt  }
0x67: {  	_ =	shalt  }
0x68: {  	_ =	shalt  }
0x69: {  	_ =	shalt  }
0x6a: {  	_ =	shalt  }
0x6b: {  	_ =	shalt  }
0x6c: {  	_ =	shalt  }
0x6d: {  	_ =	shalt  }
0x6e: {  	_ =	shalt  }
0x6f: {  	_ =	shalt  }
0x70: {  	_ =	shalt  }
0x71: {  	_ =	shalt  }
0x72: {  	_ =	shalt  }
0x73: {  	_ =	shalt  }
0x74: {  	_ =	shalt  }
0x75: {  	_ =	shalt  }
0x76: {  	_ =	shalt  }
0x77: {  	_ =	shalt  }
0x78: {  	_ =	shalt  }
0x79: {  	_ =	shalt  }
0x7a: {  	_ =	shalt  }
0x7b: {  	_ =	shalt  }
0x7c: {  	_ =	shalt  }
0x7d: {  	_ =	shalt  }
0x7e: {  	_ =	shalt  }
0x7f: {  	_ =	shalt  }
0x80: {  	_ =	shalt  }
0x81: {  	_ =	shalt  }
0x82: {  	_ =	shalt  }
0x83: {  	_ =	shalt  }
0x84: {  	_ =	shalt  }
0x85: {  	_ =	shalt  }
0x86: {  	_ =	shalt  }
0x87: {  	_ =	shalt  }
.Lfunc_end0:
.L_simem_size_0:
called_computation_lowered:
.L_overlay_start_0:
0x88: {  	s2 =	sld [smem:$0x3FD9]  }
0x89: {  	s3 =	sld [smem:$0x3FFE];
	_ =	sdelay $0x1  }
0x8a: {  	s1 =	srdreg.scid  }
0x8b: {  	s0 =	sand.u32 $0x1, s1  }
0x8c: {  	s17 =	sshll.u32 s0, $0xA;
	s2 =	sadd.s32 s3, s2  }
0x8d: {  	s2 =	sadd.s32 s2, s17  }
0x8e: {  	[smem:$0x3FC6] =	sst s2  }
0x8f: {  	_ = 	snop  }
0x90: {  	s2 =	sld [smem:$0x3FD0];
	(tm) =	ssettm $0x1  }
0x91: {  	s18 =	sld [smem:$0x3FFB];
	_ =	sdelay $0x3  }
0x92: {  	_ =	strace s18  }
0x93: {  	s3 =	sld [smem:$0x3FFC];
	_ =	sdelay $0x3  }
0x94: {  	_ =	strace s3  }
0x95: {  	s3 =	sld [smem:$0x3FFD];
	_ =	sdelay $0x3  }
0x96: {  	_ =	strace s3  }
0x97: {  	_ =	strace $0x8FFFFFFF  }
0x98: {  	s19 =	sld [smem:$0x3FDB];
	_ =	sdelay $0x1  }
0x99: {  	s4 =	simm.s32 $_scs_section_size  }
0x9a: {  	s5 =	simm.s32 $_size__tile_overlayer_lowered;
	s6 =	simm.s32 $_tile_overlayer_lowered  }
0x9b: {  	s22 =	simm.s32 $0x1BFF;
	s21 =	sshll.u32 s6, $0x1;
	s3 =	sadd.s32 s4, s19  }
0x9c: {  	s7 =	simm.s32 $0x0;
	s20 =	sshll.u32 s5, $0x1;
	s5 =	sadd.s32 s21, s3  }
0x9d: {  	[timem:s7], [sflag:s22] =	dma.local [hbm:s5], s20  }
0x9e: {  	_ =	swait.ge [sflag:s22], s20  }
0x9f: {  	s4 =	ssub.s32 $0x0, s20;
	[sflag:s22] =	ssyncset.done $0x0  }
0xa0: {  	[sflag:s22] =	ssyncadd.s32 s4;
	_ =	sdelay $0x1  }
0xa1: {  	s23 =	simm.s32 $0x1B8B  }
0xa2: {  	_ =	swait.ge [sflag:s23], $0x1  }
0xa3: {  	[sflag:s23] =	ssyncset.done $0x0  }
0xa4: {  	s25 =	simm.s32 $0x1B8E;
	s24 =	sld [smem:$0x3FFE];
	[sflag:s23] =	ssyncadd.s32 $0xFFFFFFFF  }
0xa5: {  	s26 =	simm.s32 $execute0_lowered;
	[smem:$0x3FD2] =	sst s25  }
0xa6: {  	s5 =	sshll.u32 s26, $0x1;
	_ =	strace $0x80000046;
	[dreg:$0x1] =	wrdreg $0xFFFFFFFF  }
0xa7: {  	s28 =	simm.s32 $_size_execute0_lowered;
	s3 =	sadd.s32 s3, s5;
	[dreg:$0x0] =	wrdreg $0x0  }
0xa8: {  	s5 =	sshll.u32 s28, $0x1;
	[dreg:$0x2] =	wrdreg s3  }
0xa9: {  	[dreg:$0x3] =	wrdreg s5  }
0xaa: {  	[dreg:$0x4] =	wrdreg $0xC0  }
0xab: {  	_ =	task [dreg:s7], $0x5FFFF  }
0xac: {  	[dreg:$0x1] =	wrdreg $0xFFFFFFFF  }
0xad: {  	[dreg:$0x0] =	wrdreg $0x60  }
0xae: {  	[dreg:$0x2] =	wrdreg s2  }
0xaf: {  	[dreg:$0x3] =	wrdreg s24  }
0xb0: {  	[dreg:$0x4] =	wrdreg $0x9  }
0xb1: {  	_ =	task.clear_ibuf [dreg:s7], $0x5FFFF;
	_ =	strace $0x90000046  }
0xb2: {  	s29 =	simm.s32 $0x9;
	_ =	strace $0x80000048  }
0xb3: {  	_ =	swait.ge [sflag:s29], $0x1  }
0xb4: {  	[sflag:s29] =	ssyncadd.s32 $0xFFFFFFFF  }
0xb5: {  	_ =	strace $0x90000048  }
0xb6: {  	_ =	sfence  }
0xb7: {  	s30 =	sld [smem:$0x0];
	_ =	sdelay $0x2  }
0xb8: {  	s31 =	sshll.u32 s1, $0xD;
	s1 =	sshrl.u32 s1, $0x2  }
0xb9: {  	s3 =	sand.u32 $0x4000, s31;
	s1 =	sadd.s32 s1, s30  }
0xba: {  	s0 =	sor.u32 s3, s0;
	s1 =	sshll.u32 s1, $0x11  }
0xbb: {  	s0 =	sor.u32 s1, s0  }
0xbc: {  	s0 =	sadd.s32 $0x8F2B, s0  }
0xbd: {  	[sflag:s0] =	ssyncadd.remote.s32 $0x1  }
0xbe: {  	_ =	sfence.sel $0xFFFF  }
0xbf: {  	[dreg:$0x0] =	wrdreg $0xFFFFFFFF;
	(pc) =	sbr.abs _section_cstart, $3  }
0xc0: {  	[dreg:$0x1] =	wrdreg $0xFFFFFFFF  }
0xc1: {  	_ =	task.clear_ibuf [dreg:s7], $0x2FFFF;
	_ =	strace $0x9FFFFFFF  }
0xc2: {  	(tm) =	ssettm $0x7FFFFFFF  }
0xc3: {  	_ =	shalt  }
tec
execute0_lowered:
.L_overlay_start_1:
0x0: {  	(tag) =	ssettag $0x1  }
0x1: {  	s2 =	rddreg [dreg:$0x0];
	s0 =	srdreg.scid  }
0x2: {  	s3 =	stileid.u32;
	s1 =	rddreg [dreg:$0x1];
	s16 =	simm.s32 $0xC000  }
0x3: {  	s17 =	simm.s32 $0x9;
	s18 =	simm.s32 $0x1;
	s19 =	simm.s32 $0xF000  }
0x4: {  	s20 =	simm.s32 $0x2;
	s21 =	simm.s32 $0x12000;
	s22 =	simm.s32 $0x3  }
0x5: {  	s23 =	simm.s32 $0x15000;
	s0 =	sand.u32 $0x1, s0;
	s4 =	sshll.u32 s3, $0x1  }
0x6: {  	s28 =	simm.s32 $0x6;
	s29 =	simm.s32 $0x7;
	s7 =	sor.u32 s0, s4  }
0x7: {  	s30 =	simm.s32 $0x8;
	s0 =	ssub.s32 $0x2, s0;
	s5 =	smul.u32 $0x30000, s7  }
0x8: {  	s31 =	simm.s32 $0x0;
	s3 =	simm.s32 $0x0;
	s6 =	sshrl.u32 s0, $0x1  }
0x9: {  	[smem:$0x7FF] =	sst s3;
	s0 =	ssub.s32 s0, s6;
	s8 =	sshrl.u32 s5, $0x3  }
0xa: {  	_ =	strace $0x80000047;
	s0 =	smax.u32 s0, $0x1;
	s6 =	sadd.s32 s2, s8  }
.Ltmp0:
0xb: {  	[dreg:$0x6] =	wrdreg s0;
	s24 =	sadd.s32 $0xC0000, s6;
	(pc) =	sbr.rel .LBB2_1-.Ltmp0, $4  }
0xc: {  	s4 =	sadd.s32 $0x400, s1;
	s25 =	sadd.s32 $0x180000, s6;
	[dreg:$0x3] =	wrdreg s24  }
0xd: {  	s7 =	sshll.u32 s7, $0x8;
	s26 =	sadd.s32 $0x240000, s6;
	[dreg:$0x4] =	wrdreg s25  }
0xe: {  	s11 =	sor.u32 $0x10, s7;
	s5 =	sadd.s32 $0xC0400, s1;
	[dreg:$0x5] =	wrdreg s26  }
0xf: {  	s24 =	simm.s32 $0x4;
	s25 =	simm.s32 $0x18000;
	s26 =	simm.s32 $0x5  }
.LBB2_12:
0x10: {  	_ =	swait.ge [sflag:s26], $0x3000  }
0x11: {  	[sflag:s26] =	ssyncset.done $0x0  }
0x12: {  	[sflag:s26] =	ssyncadd.s32 $0xFFFFD000  }
0x13: {  	_ =	swait.ge [sflag:s28], $0x3000  }
0x14: {  	[sflag:s28] =	ssyncset.done $0x0  }
0x15: {  	[sflag:s28] =	ssyncadd.s32 $0xFFFFD000  }
0x16: {  	_ =	swait.ge [sflag:s29], $0x3000  }
0x17: {  	[sflag:s29] =	ssyncset.done $0x0  }
0x18: {  	[sflag:s29] =	ssyncadd.s32 $0xFFFFD000  }
0x19: {  	_ =	swait.ge [sflag:s30], $0x3000  }
0x1a: {  	s31 =	sadd.s32 $0x1, s31;
	s0 =	rddreg [dreg:$0x6]  }
0x1b: {  	p0 =	sne.s32 s31, s0  }
.Ltmp1:
0x1c: {  	_ = 	snop;
	(pc) =	sbr.rel @!p0 .LBB2_13-.Ltmp1, $3  }
0x1d: {  	_ =	sdelay $0x1  }
0x1e: {  	[sflag:s30] =	ssyncset.done $0x0  }
0x1f: {  	[sflag:s30] =	ssyncadd.s32 $0xFFFFD000  }
.LBB2_1:
0x20: {  	s0 =	simm.s32 $0x3000  }
0x21: {  	[tilespmem:s0], [sflag:$0x1] =	stream.linear.gather [hbm4b:s6+s3], $0x3000, $0x38;
	[tilespmem:$0x1B000] =	vst v63  }
0x22: {  	s12 =	rddreg [dreg:$0x3];
	s1 =	simm.s32 $0x6000  }
0x23: {  	[tilespmem:s1], [sflag:$0x2] =	stream.linear.gather [hbm4b:s12+s3], $0x3000, $0x38;
	[tilespmem:$0x1B000] =	vst v63  }
0x24: {  	s13 =	rddreg [dreg:$0x4];
	s14 =	simm.s32 $0x9000  }
0x25: {  	[tilespmem:s14], [sflag:$0x3] =	stream.linear.gather [hbm4b:s13+s3], $0x3000, $0x38;
	[tilespmem:$0x1B000] =	vst v63  }
0x26: {  	s15 =	rddreg [dreg:$0x5];
	s1 =	simm.s32 $0x0  }
0x27: {  	[tilespmem:s16], [sflag:$0x4] =	stream.linear.gather [hbm4b:s15+s3], $0x3000, $0x38;
	[tilespmem:$0x1B000] =	vst v63  }
.LBB2_2:
0x28: {  	s0 =	sshll.u32 s1, $0x4  }
0x29: {  	s8 =	sor.u32 s7, s0  }
0x2a: {  	s13 =	smul.u32 $0x300, s8;
	_ =	sdelay $0x1  }
0x2b: {  	s15 =	sshrl.u32 s13, $0x3  }
0x2c: {  	s14 =	sadd.s32 s4, s15  }
0x2d: {  	[tilespmem:s3], [sflag:$0x9] =	stream.linear.gather [hbm4b:s14+s3], $0x3000, $0x38;
	[tilespmem:$0x1B000] =	vst v63  }
0x2e: {  	_ =	swait.ge [sflag:s17], $0x3000  }
0x2f: {  	[sflag:s17] =	ssyncset.done $0x0  }
0x30: {  	[sflag:s17] =	ssyncadd.s32 $0xFFFFD000  }
0x31: {  	_ =	swait.ge [sflag:s18], $0x3000  }
0x32: {  	p1 =	seq.s32 s1, $0x0;
	[sflag:s18] =	ssyncset.done $0x0  }
0x33: {  	s8 =	simm.s32 @!p1 $0x5;
	[sflag:s18] =	ssyncadd.s32 $0xFFFFD000  }
0x34: {  	_ =	swait.ge @!p1 [sflag:s8], $0x3000  }
0x35: {  	[sflag:s8] =	ssyncset.done @!p1 $0x0  }
0x36: {  	s10 =	simm.s32 $0x3040;
	[sflag:s8] =	ssyncadd.s32 @!p1 $0xFFFFD000  }
0x37: {  	s14 =	simm.s32 $0x40;
	v1 =	vld [tilespmem:s10+$0x30]  }
0x38: {  	v2 =	vld [tilespmem:s14+$0x30]  }
0x39: {  	v0 =	vld [tilespmem:s14+$0xFFFFFFC0]  }
0x3a: {  	v3 =	vld [tilespmem:s10+$0xFFFFFFD0]  }
0x3b: {  	v4 =	vld [tilespmem:s14+$0xFFFFFFD0]  }
0x3c: {  	v5 =	vld [tilespmem:s10+$0xFFFFFFE0]  }
0x3d: {  	v6 =	vld [tilespmem:s14+$0xFFFFFFE0]  }
0x3e: {  	v7 =	vld [tilespmem:s10+$0xFFFFFFF0]  }
0x3f: {  	v8 =	vld [tilespmem:s14+$0xFFFFFFF0]  }
0x40: {  	v9 =	vld [tilespmem:s10+$0x0]  }
0x41: {  	v10 =	vld [tilespmem:s14+$0x0];
	v2 =	vadd.f32 v2, v1  }
0x42: {  	s8 =	simm.s32 $0xF040;
	v4 =	vadd.f32 v4, v3;
	v1 =	vld [tilespmem:s10+$0x10]  }
0x43: {  	v5 =	vadd.f32 v6, v5;
	v3 =	vld [tilespmem:s14+$0x10];
	[tilespmem:s8+$0x30] =	vst v2  }
0x44: {  	v6 =	vadd.f32 v8, v7;
	[tilespmem:s8+$0xFFFFFFD0] =	vst v4;
	v2 =	vld [tilespmem:s10+$0x20]  }
0x45: {  	[tilespmem:s8+$0xFFFFFFE0] =	vst v5;
	v5 =	vld [tilespmem:s14+$0x20]  }
0x46: {  	s9 =	simm.s32 $0x0;
	v4 =	vld [tilespmem:s10+$0xFFFFFFC0];
	[tilespmem:s8+$0xFFFFFFF0] =	vst v6;
	v6 =	vadd.f32 v10, v9;
	s10 =	simm.s32 $0x30C0  }
.LBB2_3:
0x47: {  	v7 =	vld [tilespmem:s10+$0x30];
	s14 =	sadd.s32 $0x80, s14  }
0x48: {  	s9 =	sadd.s32 $0x8, s9;
	v8 =	vld [tilespmem:s14+$0x30];
	[tilespmem:s8+$0x0] =	vst v6;
	v1 =	vadd.f32 v3, v1  }
0x49: {  	p0 =	slt.u32 s9, $0x2F8;
	v3 =	vld [tilespmem:s14+$0xFFFFFFC0]  }
0x4a: {  	v6 =	vld [tilespmem:s10+$0xFFFFFFD0];
	[tilespmem:s8+$0x10] =	vst v1;
	v1 =	vadd.f32 v5, v2  }
0x4b: {  	v2 =	vld [tilespmem:s14+$0xFFFFFFD0];
	v9 =	vadd.f32 v0, v4  }
0x4c: {  	v4 =	vld [tilespmem:s10+$0xFFFFFFE0];
	[tilespmem:s8+$0x20] =	vst v1  }
0x4d: {  	v1 =	vld [tilespmem:s14+$0xFFFFFFE0];
	v5 =	vadd.f32 v8, v7;
	[tilespmem:s8+$0xFFFFFFC0] =	vst v9  }
0x4e: {  	s8 =	sadd.s32 $0x80, s8;
	v7 =	vld [tilespmem:s10+$0xFFFFFFF0];
	v0 =	vmov v3  }
0x4f: {  	v8 =	vld [tilespmem:s14+$0xFFFFFFF0];
	[tilespmem:s8+$0x30] =	vst v5  }
0x50: {  	v2 =	vadd.f32 v2, v6;
	v6 =	vld [tilespmem:s10+$0x0]  }
0x51: {  	v9 =	vld [tilespmem:s14+$0x0]  }
.Ltmp2:
0x52: {  	[tilespmem:s8+$0xFFFFFFD0] =	vst v2;
	v2 =	vadd.f32 v1, v4;
	v1 =	vld [tilespmem:s10+$0x10];
	(pc) =	sbr.rel @p0 .LBB2_3-.Ltmp2, $4  }
0x53: {  	v3 =	vld [tilespmem:s14+$0x10]  }
0x54: {  	[tilespmem:s8+$0xFFFFFFE0] =	vst v2;
	v7 =	vadd.f32 v8, v7;
	v2 =	vld [tilespmem:s10+$0x20]  }
0x55: {  	v5 =	vld [tilespmem:s14+$0x20]  }
0x56: {  	v4 =	vld [tilespmem:s10+$0xFFFFFFC0];
	[tilespmem:s8+$0xFFFFFFF0] =	vst v7;
	v6 =	vadd.f32 v9, v6;
	s10 =	sadd.s32 $0x80, s10  }
0x57: {  	_ =	sdelay $0x1  }
0x58: {  	v1 =	vadd.f32 v3, v1  }
0x59: {  	[tilespmem:s8+$0x0] =	vst v6;
	v2 =	vadd.f32 v5, v2  }
0x5a: {  	p0 =	seq.s32 s1, $0xF;
	[tilespmem:s8+$0x10] =	vst v1;
	v0 =	vadd.f32 v0, v4  }
0x5b: {  	s14 =	sadd.s32 @!p0 s0, s11;
	[tilespmem:s8+$0x20] =	vst v2  }
0x5c: {  	s15 =	sadd.s32 s5, s15;
	s9 =	smul.u32 @!p0 $0x60, s14;
	[tilespmem:s8+$0xFFFFFFC0] =	vst v0  }
0x5d: {  	[hbm4b:s15+s3] =	stream.linear.scatter [tilespmem:s19], [sflag:$0x5], $0x3000, $0x38;
	[tilespmem:$0x1B000] =	vst v63  }
0x5e: {  	s10 =	simm.s32 @!p0 $0x3000;
	s8 =	sadd.s32 @!p0 s2, s9;
	s9 =	simm.s32 @!p0 $0x0  }
0x5f: {  	[tilespmem:s10], [sflag:$0x1] =	stream.linear.gather @!p0 [hbm4b:s8+s9], $0x3000, $0x38;
	[tilespmem:$0x1B000] =	vst v63  }
0x60: {  	_ =	swait.ge [sflag:s20], $0x3000  }
0x61: {  	[sflag:s20] =	ssyncset.done $0x0  }
0x62: {  	s8 =	simm.s32 @!p1 $0x6;
	[sflag:s20] =	ssyncadd.s32 $0xFFFFD000  }
0x63: {  	_ =	swait.ge @!p1 [sflag:s8], $0x3000  }
0x64: {  	[sflag:s8] =	ssyncset.done @!p1 $0x0  }
0x65: {  	s12 =	simm.s32 $0x6040;
	[sflag:s8] =	ssyncadd.s32 @!p1 $0xFFFFD000  }
0x66: {  	s15 =	simm.s32 $0x40;
	v1 =	vld [tilespmem:s12+$0x30]  }
0x67: {  	v2 =	vld [tilespmem:s15+$0x30]  }
0x68: {  	v0 =	vld [tilespmem:s15+$0xFFFFFFC0]  }
0x69: {  	v3 =	vld [tilespmem:s12+$0xFFFFFFD0]  }
0x6a: {  	v4 =	vld [tilespmem:s15+$0xFFFFFFD0]  }
0x6b: {  	v5 =	vld [tilespmem:s12+$0xFFFFFFE0]  }
0x6c: {  	v6 =	vld [tilespmem:s15+$0xFFFFFFE0]  }
0x6d: {  	v7 =	vld [tilespmem:s12+$0xFFFFFFF0]  }
0x6e: {  	v8 =	vld [tilespmem:s15+$0xFFFFFFF0]  }
0x6f: {  	v9 =	vld [tilespmem:s12+$0x0]  }
0x70: {  	v10 =	vld [tilespmem:s15+$0x0];
	v2 =	vadd.f32 v2, v1  }
0x71: {  	s8 =	simm.s32 $0x12040;
	v4 =	vadd.f32 v4, v3;
	v1 =	vld [tilespmem:s12+$0x10]  }
0x72: {  	v5 =	vadd.f32 v6, v5;
	v3 =	vld [tilespmem:s15+$0x10];
	[tilespmem:s8+$0x30] =	vst v2  }
0x73: {  	v6 =	vadd.f32 v8, v7;
	[tilespmem:s8+$0xFFFFFFD0] =	vst v4;
	v2 =	vld [tilespmem:s12+$0x20]  }
0x74: {  	[tilespmem:s8+$0xFFFFFFE0] =	vst v5;
	v4 =	vld [tilespmem:s15+$0x20]  }
0x75: {  	s9 =	sadd.s32 $0x600000, s13;
	s10 =	simm.s32 $0x0;
	v5 =	vld [tilespmem:s12+$0xFFFFFFC0];
	[tilespmem:s8+$0xFFFFFFF0] =	vst v6;
	v6 =	vadd.f32 v10, v9;
	s12 =	simm.s32 $0x60C0  }
.LBB2_5:
0x76: {  	v7 =	vld [tilespmem:s12+$0x30];
	s15 =	sadd.s32 $0x80, s15  }
0x77: {  	s10 =	sadd.s32 $0x8, s10;
	v8 =	vld [tilespmem:s15+$0x30];
	[tilespmem:s8+$0x0] =	vst v6;
	v1 =	vadd.f32 v3, v1  }
0x78: {  	p2 =	slt.u32 s10, $0x2F8;
	v3 =	vld [tilespmem:s15+$0xFFFFFFC0]  }
0x79: {  	v6 =	vld [tilespmem:s12+$0xFFFFFFD0];
	[tilespmem:s8+$0x10] =	vst v1;
	v1 =	vadd.f32 v4, v2  }
0x7a: {  	v2 =	vld [tilespmem:s15+$0xFFFFFFD0];
	v9 =	vadd.f32 v0, v5  }
0x7b: {  	v4 =	vld [tilespmem:s12+$0xFFFFFFE0];
	[tilespmem:s8+$0x20] =	vst v1  }
0x7c: {  	v1 =	vld [tilespmem:s15+$0xFFFFFFE0];
	v5 =	vadd.f32 v8, v7;
	[tilespmem:s8+$0xFFFFFFC0] =	vst v9  }
0x7d: {  	s8 =	sadd.s32 $0x80, s8;
	v7 =	vld [tilespmem:s12+$0xFFFFFFF0];
	v0 =	vmov v3  }
0x7e: {  	v8 =	vld [tilespmem:s15+$0xFFFFFFF0];
	[tilespmem:s8+$0x30] =	vst v5  }
0x7f: {  	v2 =	vadd.f32 v2, v6;
	v6 =	vld [tilespmem:s12+$0x0]  }
0x80: {  	v9 =	vld [tilespmem:s15+$0x0]  }
.Ltmp3:
0x81: {  	[tilespmem:s8+$0xFFFFFFD0] =	vst v2;
	v2 =	vadd.f32 v1, v4;
	v1 =	vld [tilespmem:s12+$0x10];
	(pc) =	sbr.rel @p2 .LBB2_5-.Ltmp3, $4  }
0x82: {  	v3 =	vld [tilespmem:s15+$0x10]  }
0x83: {  	[tilespmem:s8+$0xFFFFFFE0] =	vst v2;
	v7 =	vadd.f32 v8, v7;
	v2 =	vld [tilespmem:s12+$0x20]  }
0x84: {  	v4 =	vld [tilespmem:s15+$0x20]  }
0x85: {  	v5 =	vld [tilespmem:s12+$0xFFFFFFC0];
	[tilespmem:s8+$0xFFFFFFF0] =	vst v7;
	v6 =	vadd.f32 v9, v6;
	s12 =	sadd.s32 $0x80, s12  }
0x86: {  	_ =	sdelay $0x1  }
0x87: {  	v1 =	vadd.f32 v3, v1  }
0x88: {  	s9 =	sshrl.u32 s9, $0x3;
	[tilespmem:s8+$0x0] =	vst v6;
	v2 =	vadd.f32 v4, v2  }
0x89: {  	s15 =	sadd.s32 s5, s9;
	s9 =	smul.u32 @!p0 $0x300, s14;
	[tilespmem:s8+$0x10] =	vst v1;
	v0 =	vadd.f32 v0, v5  }
0x8a: {  	[tilespmem:s8+$0x20] =	vst v2  }
0x8b: {  	[tilespmem:s8+$0xFFFFFFC0] =	vst v0;
	s8 =	sshrl.u32 @!p0 s9, $0x3  }
0x8c: {  	[hbm4b:s15+s3] =	stream.linear.scatter [tilespmem:s21], [sflag:$0x6], $0x3000, $0x38;
	[tilespmem:$0x1B000] =	vst v63  }
0x8d: {  	s14 =	sadd.s32 @!p0 s2, s8  }
0x8e: {  	s10 =	simm.s32 @!p0 $0x6000;
	s9 =	simm.s32 @!p0 $0x0;
	s8 =	sadd.s32 @!p0 $0xC0000, s14  }
0x8f: {  	[tilespmem:s10], [sflag:$0x2] =	stream.linear.gather @!p0 [hbm4b:s8+s9], $0x3000, $0x38;
	[tilespmem:$0x1B000] =	vst v63  }
0x90: {  	_ =	swait.ge [sflag:s22], $0x3000  }
0x91: {  	[sflag:s22] =	ssyncset.done $0x0  }
0x92: {  	s8 =	simm.s32 @!p1 $0x7;
	[sflag:s22] =	ssyncadd.s32 $0xFFFFD000  }
0x93: {  	_ =	swait.ge @!p1 [sflag:s8], $0x3000  }
0x94: {  	[sflag:s8] =	ssyncset.done @!p1 $0x0  }
0x95: {  	s12 =	simm.s32 $0x9040;
	[sflag:s8] =	ssyncadd.s32 @!p1 $0xFFFFD000  }
0x96: {  	s15 =	simm.s32 $0x40;
	v1 =	vld [tilespmem:s12+$0x30]  }
0x97: {  	v2 =	vld [tilespmem:s15+$0x30]  }
0x98: {  	v0 =	vld [tilespmem:s15+$0xFFFFFFC0]  }
0x99: {  	v3 =	vld [tilespmem:s12+$0xFFFFFFD0]  }
0x9a: {  	v4 =	vld [tilespmem:s15+$0xFFFFFFD0]  }
0x9b: {  	v5 =	vld [tilespmem:s12+$0xFFFFFFE0]  }
0x9c: {  	v6 =	vld [tilespmem:s15+$0xFFFFFFE0]  }
0x9d: {  	v7 =	vld [tilespmem:s12+$0xFFFFFFF0]  }
0x9e: {  	v8 =	vld [tilespmem:s15+$0xFFFFFFF0]  }
0x9f: {  	v9 =	vld [tilespmem:s12+$0x0]  }
0xa0: {  	v10 =	vld [tilespmem:s15+$0x0];
	v2 =	vadd.f32 v2, v1  }
0xa1: {  	s8 =	simm.s32 $0x15040;
	v4 =	vadd.f32 v4, v3;
	v1 =	vld [tilespmem:s12+$0x10]  }
0xa2: {  	v5 =	vadd.f32 v6, v5;
	v3 =	vld [tilespmem:s15+$0x10];
	[tilespmem:s8+$0x30] =	vst v2  }
0xa3: {  	v6 =	vadd.f32 v8, v7;
	[tilespmem:s8+$0xFFFFFFD0] =	vst v4;
	v2 =	vld [tilespmem:s12+$0x20]  }
0xa4: {  	[tilespmem:s8+$0xFFFFFFE0] =	vst v5;
	v4 =	vld [tilespmem:s15+$0x20]  }
0xa5: {  	s9 =	sadd.s32 $0xC00000, s13;
	s10 =	simm.s32 $0x0;
	v5 =	vld [tilespmem:s12+$0xFFFFFFC0];
	[tilespmem:s8+$0xFFFFFFF0] =	vst v6;
	v6 =	vadd.f32 v10, v9;
	s12 =	simm.s32 $0x90C0  }
.LBB2_7:
0xa6: {  	v7 =	vld [tilespmem:s12+$0x30];
	s15 =	sadd.s32 $0x80, s15  }
0xa7: {  	s10 =	sadd.s32 $0x8, s10;
	v8 =	vld [tilespmem:s15+$0x30];
	[tilespmem:s8+$0x0] =	vst v6;
	v1 =	vadd.f32 v3, v1  }
0xa8: {  	p2 =	slt.u32 s10, $0x2F8;
	v3 =	vld [tilespmem:s15+$0xFFFFFFC0]  }
0xa9: {  	v6 =	vld [tilespmem:s12+$0xFFFFFFD0];
	[tilespmem:s8+$0x10] =	vst v1;
	v1 =	vadd.f32 v4, v2  }
0xaa: {  	v2 =	vld [tilespmem:s15+$0xFFFFFFD0];
	v9 =	vadd.f32 v0, v5  }
0xab: {  	v4 =	vld [tilespmem:s12+$0xFFFFFFE0];
	[tilespmem:s8+$0x20] =	vst v1  }
0xac: {  	v1 =	vld [tilespmem:s15+$0xFFFFFFE0];
	v5 =	vadd.f32 v8, v7;
	[tilespmem:s8+$0xFFFFFFC0] =	vst v9  }
0xad: {  	s8 =	sadd.s32 $0x80, s8;
	v7 =	vld [tilespmem:s12+$0xFFFFFFF0];
	v0 =	vmov v3  }
0xae: {  	v8 =	vld [tilespmem:s15+$0xFFFFFFF0];
	[tilespmem:s8+$0x30] =	vst v5  }
0xaf: {  	v2 =	vadd.f32 v2, v6;
	v6 =	vld [tilespmem:s12+$0x0]  }
0xb0: {  	v9 =	vld [tilespmem:s15+$0x0]  }
.Ltmp4:
0xb1: {  	[tilespmem:s8+$0xFFFFFFD0] =	vst v2;
	v2 =	vadd.f32 v1, v4;
	v1 =	vld [tilespmem:s12+$0x10];
	(pc) =	sbr.rel @p2 .LBB2_7-.Ltmp4, $4  }
0xb2: {  	v3 =	vld [tilespmem:s15+$0x10]  }
0xb3: {  	[tilespmem:s8+$0xFFFFFFE0] =	vst v2;
	v7 =	vadd.f32 v8, v7;
	v2 =	vld [tilespmem:s12+$0x20]  }
0xb4: {  	v4 =	vld [tilespmem:s15+$0x20]  }
0xb5: {  	v5 =	vld [tilespmem:s12+$0xFFFFFFC0];
	[tilespmem:s8+$0xFFFFFFF0] =	vst v7;
	v6 =	vadd.f32 v9, v6;
	s12 =	sadd.s32 $0x80, s12  }
0xb6: {  	_ =	sdelay $0x1  }
0xb7: {  	v1 =	vadd.f32 v3, v1  }
0xb8: {  	[tilespmem:s8+$0x0] =	vst v6;
	v2 =	vadd.f32 v4, v2  }
0xb9: {  	[tilespmem:s8+$0x10] =	vst v1;
	v0 =	vadd.f32 v0, v5  }
0xba: {  	s9 =	sshrl.u32 s9, $0x3;
	[tilespmem:s8+$0x20] =	vst v2  }
0xbb: {  	s15 =	sadd.s32 s5, s9;
	[tilespmem:s8+$0xFFFFFFC0] =	vst v0  }
0xbc: {  	[hbm4b:s15+s3] =	stream.linear.scatter [tilespmem:s23], [sflag:$0x7], $0x3000, $0x38;
	[tilespmem:$0x1B000] =	vst v63  }
0xbd: {  	s10 =	simm.s32 @!p0 $0x9000;
	s9 =	simm.s32 @!p0 $0x0;
	s8 =	sadd.s32 @!p0 $0x180000, s14  }
0xbe: {  	[tilespmem:s10], [sflag:$0x3] =	stream.linear.gather @!p0 [hbm4b:s8+s9], $0x3000, $0x38;
	[tilespmem:$0x1B000] =	vst v63  }
0xbf: {  	_ =	swait.ge [sflag:s24], $0x3000  }
0xc0: {  	[sflag:s24] =	ssyncset.done $0x0  }
0xc1: {  	s8 =	simm.s32 @!p1 $0x8;
	[sflag:s24] =	ssyncadd.s32 $0xFFFFD000  }
0xc2: {  	_ =	swait.ge @!p1 [sflag:s8], $0x3000  }
0xc3: {  	[sflag:s8] =	ssyncset.done @!p1 $0x0  }
0xc4: {  	s12 =	simm.s32 $0xC040;
	[sflag:s8] =	ssyncadd.s32 @!p1 $0xFFFFD000  }
0xc5: {  	s14 =	simm.s32 $0x40;
	v1 =	vld [tilespmem:s12+$0x30]  }
0xc6: {  	v2 =	vld [tilespmem:s14+$0x30]  }
0xc7: {  	v0 =	vld [tilespmem:s14+$0xFFFFFFC0]  }
0xc8: {  	v3 =	vld [tilespmem:s12+$0xFFFFFFD0]  }
0xc9: {  	v4 =	vld [tilespmem:s14+$0xFFFFFFD0]  }
0xca: {  	v5 =	vld [tilespmem:s12+$0xFFFFFFE0]  }
0xcb: {  	v6 =	vld [tilespmem:s14+$0xFFFFFFE0]  }
0xcc: {  	v7 =	vld [tilespmem:s12+$0xFFFFFFF0]  }
0xcd: {  	v8 =	vld [tilespmem:s14+$0xFFFFFFF0]  }
0xce: {  	v9 =	vld [tilespmem:s12+$0x0]  }
0xcf: {  	v10 =	vld [tilespmem:s14+$0x0];
	v2 =	vadd.f32 v2, v1  }
0xd0: {  	s8 =	simm.s32 $0x18040;
	v4 =	vadd.f32 v4, v3;
	v1 =	vld [tilespmem:s12+$0x10]  }
0xd1: {  	v5 =	vadd.f32 v6, v5;
	v3 =	vld [tilespmem:s14+$0x10];
	[tilespmem:s8+$0x30] =	vst v2  }
0xd2: {  	v6 =	vadd.f32 v8, v7;
	[tilespmem:s8+$0xFFFFFFD0] =	vst v4;
	v2 =	vld [tilespmem:s12+$0x20]  }
0xd3: {  	[tilespmem:s8+$0xFFFFFFE0] =	vst v5;
	v4 =	vld [tilespmem:s14+$0x20]  }
0xd4: {  	s9 =	sadd.s32 $0x1200000, s13;
	s10 =	simm.s32 $0x0;
	v5 =	vld [tilespmem:s12+$0xFFFFFFC0];
	[tilespmem:s8+$0xFFFFFFF0] =	vst v6;
	v6 =	vadd.f32 v10, v9;
	s12 =	simm.s32 $0xC0C0  }
.LBB2_9:
0xd5: {  	v7 =	vld [tilespmem:s12+$0x30];
	s14 =	sadd.s32 $0x80, s14  }
0xd6: {  	s10 =	sadd.s32 $0x8, s10;
	v8 =	vld [tilespmem:s14+$0x30];
	[tilespmem:s8+$0x0] =	vst v6;
	v1 =	vadd.f32 v3, v1  }
0xd7: {  	p1 =	slt.u32 s10, $0x2F8;
	v3 =	vld [tilespmem:s14+$0xFFFFFFC0]  }
0xd8: {  	v6 =	vld [tilespmem:s12+$0xFFFFFFD0];
	[tilespmem:s8+$0x10] =	vst v1;
	v1 =	vadd.f32 v4, v2  }
0xd9: {  	v2 =	vld [tilespmem:s14+$0xFFFFFFD0];
	v9 =	vadd.f32 v0, v5  }
0xda: {  	v4 =	vld [tilespmem:s12+$0xFFFFFFE0];
	[tilespmem:s8+$0x20] =	vst v1  }
0xdb: {  	v1 =	vld [tilespmem:s14+$0xFFFFFFE0];
	v5 =	vadd.f32 v8, v7;
	[tilespmem:s8+$0xFFFFFFC0] =	vst v9  }
0xdc: {  	s8 =	sadd.s32 $0x80, s8;
	v7 =	vld [tilespmem:s12+$0xFFFFFFF0];
	v0 =	vmov v3  }
0xdd: {  	v8 =	vld [tilespmem:s14+$0xFFFFFFF0];
	[tilespmem:s8+$0x30] =	vst v5  }
0xde: {  	v2 =	vadd.f32 v2, v6;
	v6 =	vld [tilespmem:s12+$0x0]  }
0xdf: {  	v9 =	vld [tilespmem:s14+$0x0]  }
.Ltmp5:
0xe0: {  	[tilespmem:s8+$0xFFFFFFD0] =	vst v2;
	v2 =	vadd.f32 v1, v4;
	v1 =	vld [tilespmem:s12+$0x10];
	(pc) =	sbr.rel @p1 .LBB2_9-.Ltmp5, $4  }
0xe1: {  	v3 =	vld [tilespmem:s14+$0x10]  }
0xe2: {  	[tilespmem:s8+$0xFFFFFFE0] =	vst v2;
	v7 =	vadd.f32 v8, v7;
	v2 =	vld [tilespmem:s12+$0x20]  }
0xe3: {  	v4 =	vld [tilespmem:s14+$0x20]  }
0xe4: {  	v5 =	vld [tilespmem:s12+$0xFFFFFFC0];
	[tilespmem:s8+$0xFFFFFFF0] =	vst v7;
	v6 =	vadd.f32 v9, v6;
	s12 =	sadd.s32 $0x80, s12  }
0xe5: {  	_ =	sdelay $0x1  }
0xe6: {  	v1 =	vadd.f32 v3, v1  }
.Ltmp6:
0xe7: {  	[tilespmem:s8+$0x0] =	vst v6;
	v2 =	vadd.f32 v4, v2;
	(pc) =	sbr.rel @p0 .LBB2_12-.Ltmp6, $4  }
0xe8: {  	[tilespmem:s8+$0x10] =	vst v1;
	v0 =	vadd.f32 v0, v5  }
0xe9: {  	s9 =	sshrl.u32 s9, $0x3;
	[tilespmem:s8+$0x20] =	vst v2  }
0xea: {  	s15 =	sadd.s32 s5, s9;
	[tilespmem:s8+$0xFFFFFFC0] =	vst v0  }
0xeb: {  	[hbm4b:s15+s3] =	stream.linear.scatter [tilespmem:s25], [sflag:$0x8], $0x3000, $0x38;
	[tilespmem:$0x1B000] =	vst v63  }
0xec: {  	s0 =	sadd.s32 s0, s11  }
0xed: {  	s0 =	smul.u32 $0x300, s0  }
.Ltmp7:
0xee: {  	_ = 	snop;
	(pc) =	sbr.rel .LBB2_2-.Ltmp7, $4  }
0xef: {  	s0 =	sshrl.u32 s0, $0x3  }
0xf0: {  	s0 =	sadd.s32 s2, s0  }
0xf1: {  	s1 =	sadd.s32 $0x1, s1;
	s0 =	sadd.s32 $0x240000, s0  }
0xf2: {  	[tilespmem:s16], [sflag:$0x4] =	stream.linear.gather [hbm4b:s0+s3], $0x3000, $0x38;
	[tilespmem:$0x1B000] =	vst v63  }
.LBB2_13:
0xf3: {  	_ =	sfence.sel $0x180000  }
0xf4: {  	[bflag:$0x0] =	sbarrier.arrive $0xFFFF  }
0xf5: {  	_ =	strace $0x90000047  }
0xf6: {  	s0 =	stileid.u32;
	[bflag:$0x2] =	sbarrier.arrive $0xFFFF  }
0xf7: {  	p0 =	sne.s32 s0, $0x0;
	s0 =	rddreg [dreg:$0x2]  }
0xf8: {  	s0 =	sadd.s32 @!p0 $0x100000, s0  }
0xf9: {  	[sflag:s0] =	ssyncadd.tile.s32 @!p0 $0x1;
	_ =	shalt  }
.Lfunc_end2:
_tile_overlayer_lowered:
.L_overlay_start_2:
0xfa: {  	(tag) =	ssettag $0x2  }
0xfb: {  	s0 =	rddreg [dreg:$0x0];
	s2 =	stileid.u32  }
0xfc: {  	s1 =	rddreg [dreg:$0x1];
	p0 =	sne.s32 s2, $0x0  }
0xfd: {  	s3 =	rddreg [dreg:$0x2];
	[bflag:$0x3] =	sbarrier.arrive $0xFFFF;
	s2 =	simm.s32 @!p0 $0x1C09  }
0xfe: {  	[timem:s3], [sflag:s2] =	dma.local @!p0 [hbm:s0], s1  }
0xff: {  	s0 =	simm.s32 @!p0 $0x9  }
0x100: {  	_ =	swait.ge @!p0 [sflag:s0], s1  }
0x101: {  	s1 =	ssub.s32 @!p0 $0x0, s1;
	[sflag:s0] =	ssyncset.done @!p0 $0x0  }
0x102: {  	[sflag:s0] =	ssyncadd.s32 @!p0 s1  }
0x103: {  	[bflag:$0x3] =	sbarrier.arrive $0xFFFF  }
0x104: {  	_ =	shalt  }

</sc_bundles>
